<compile_context>
chip_gen: v7x
topology: tpu7x:2x2x1
jax: 0.10.2.dev20260603
libtpu: 0.0.44.dev20260713+nightly
codegen_flags: <defaults>
</compile_context>

<pallas_src>
import functools

import jax
import jax.numpy as jnp
from jax import lax
from jax.experimental import pallas as pl
from jax.experimental.pallas import tpu as pltpu
from jax.experimental.pallas import tpu_sc as plsc

_VOCAB = 100000
_D = 128
_BATCH = 4096
_HIST = 50
_TOT = _BATCH * _HIST

_NC = 2
_NS = 16
_NW = _NC * _NS
_BPW = _TOT // _NW

_NBUF = 3
_C = 320
_NCH = _BPW // _C
_NITER = (_NCH - 2) // _NBUF
_SPLITS = [(0, 128), (128, 128), (256, 64)]


def _gather_body(idx_hbm, table_hbm, out_hbm,
                 idx0_v, idx1_v, idx2_v, rows0_v, rows1_v, rows2_v,
                 gsem0, gsem1, gsem2, osem0, osem1, osem2):
    wid = lax.axis_index("s") * _NC + lax.axis_index("c")
    base = wid * _BPW
    idx_v = (idx0_v, idx1_v, idx2_v)
    rows_v = (rows0_v, rows1_v, rows2_v)
    gsem = (gsem0, gsem1, gsem2)
    osem = (osem0, osem1, osem2)

    def fire_gather(g, b):
        pltpu.sync_copy(idx_hbm.at[pl.ds(base + g * _C, _C)], idx_v[b])
        for s, n in _SPLITS:
            pltpu.async_copy(
                table_hbm.at[idx_v[b].at[pl.ds(s, n)]],
                rows_v[b].at[pl.ds(s, n)],
                gsem[b],
            )

    def drain_gather(b):
        pltpu.make_async_copy(
            table_hbm.at[pl.ds(0, _C)], rows_v[b], gsem[b]).wait()

    def fire_store(g, b):
        pltpu.async_copy(
            rows_v[b], out_hbm.at[pl.ds(base + g * _C, _C)], osem[b])

    def drain_store(b):
        pltpu.make_async_copy(
            rows_v[b], out_hbm.at[pl.ds(0, _C)], osem[b]).wait()

    fire_gather(0, 0)
    fire_gather(1, 1)

    @pl.loop(0, _NITER)
    def _ring(i):
        g_base = _NBUF * i
        for s in range(_NBUF):
            g = g_base + s
            t = (s + 2) % _NBUF
            drain_gather(s)
            fire_store(g, s)
            if s == 0:
                @pl.when(i > 0)
                def _():
                    drain_store(t)
            else:
                drain_store(t)
            fire_gather(g + 2, t)

    drain_gather(0)
    fire_store(_NCH - 2, 0)
    drain_store(2)
    drain_gather(1)
    fire_store(_NCH - 1, 1)
    drain_store(0)
    drain_store(1)


_sc_gather = functools.partial(
    pl.kernel,
    out_type=jax.ShapeDtypeStruct((_TOT, _D), jnp.float32),
    mesh=plsc.VectorSubcoreMesh(core_axis_name="c", subcore_axis_name="s"),
    scratch_types=(
        [pltpu.VMEM((_C,), jnp.int32)] * _NBUF
        + [pltpu.VMEM((_C, _D), jnp.float32)] * _NBUF
        + [pltpu.SemaphoreType.DMA] * (2 * _NBUF)
    ),
)(_gather_body)


@jax.jit
def kernel(x, embeddings):
    idx = x.astype(jnp.int32).T.reshape(_TOT)
    out = _sc_gather(idx, embeddings)
    return out.reshape(_HIST, _BATCH, _D).transpose(1, 0, 2)

# --- scband reference (transcript-rebuilt; emitter-appended) ---
"""Pipeline reference for scband-pre-trained-embeddings-21397527068951 (READ-ONLY COPY).

The authoritative reference and input builder live on the scoring server;
editing this copy changes nothing except your own understanding.
"""

import jax, jax.numpy as jnp
import numpy as np

VOCAB = 100000
EMBED_DIM = 128
BATCH = 4096
HIST = 50


def setup_inputs(seed: int = 0) -> dict:
    key = jax.random.key(seed)
    k_emb, k_idx = jax.random.split(key)
    embeddings = jax.random.normal(k_emb, (VOCAB, EMBED_DIM), dtype=jnp.float32)
    x = jax.random.randint(k_idx, (BATCH, HIST), 0, VOCAB, dtype=jnp.int64)
    return {"x": x, "embeddings": embeddings}


def reference(x, embeddings):
    # nn.Embedding forward: table row gather. padding_idx only affects grads,
    # not the forward pass (weight was assigned directly as a Parameter).
    return jnp.take(embeddings, x, axis=0)

if __name__ == "__main__":
    import jax
    _d = setup_inputs()
    print(jax.jit(kernel)(*tuple(_d.values())))

</pallas_src>

<mosaic_0001>
#map = affine_map<(d0, d1) -> (0)>
#map1 = affine_map<(d0, d1) -> (0, 0)>
module attributes {stable_mosaic.version = 14 : i64} {
  func.func @_gather_body(%arg0: i32, %arg1: i32, %arg2: memref<204800xi32, #tpu.memory_space<hbm>>, %arg3: memref<100000x128xf32, #tpu.memory_space<hbm>>, %arg4: memref<204800x128xf32, #tpu.memory_space<hbm>>, %arg5: memref<320xi32, #tpu.memory_space<vmem>>, %arg6: memref<320xi32, #tpu.memory_space<vmem>>, %arg7: memref<320xi32, #tpu.memory_space<vmem>>, %arg8: memref<320x128xf32, #tpu.memory_space<vmem>>, %arg9: memref<320x128xf32, #tpu.memory_space<vmem>>, %arg10: memref<320x128xf32, #tpu.memory_space<vmem>>, %arg11: memref<!tpu.dma_semaphore, #tpu.memory_space<semaphore_mem>>, %arg12: memref<!tpu.dma_semaphore, #tpu.memory_space<semaphore_mem>>, %arg13: memref<!tpu.dma_semaphore, #tpu.memory_space<semaphore_mem>>, %arg14: memref<!tpu.dma_semaphore, #tpu.memory_space<semaphore_mem>>, %arg15: memref<!tpu.dma_semaphore, #tpu.memory_space<semaphore_mem>>, %arg16: memref<!tpu.dma_semaphore, #tpu.memory_space<semaphore_mem>>) attributes {dimension_semantics = [#tpu.dimension_semantics<core_parallel>, #tpu.dimension_semantics<subcore_parallel>], iteration_bounds = array<i64: 2, 16>, scalar_prefetch = 0 : i64, scratch_operands = 12 : i64, tpu.core_type = #tpu.core_type<sc_vector_subcore>, window_params = [{transform_indices = #map}, {transform_indices = #map1}, {transform_indices = #map1}]} {
    %mul3A = arith.constant 2 : i32
    %mul3A_0 = arith.muli %arg1, %mul3A : i32
    %add3A = arith.addi %mul3A_0, %arg0 : i32
    %mul3A_1 = arith.constant 6400 : i32
    %mul3A_2 = arith.muli %add3A, %mul3A_1 : i32
    %add3A_3 = arith.constant 0 : i32
    %add3A_4 = arith.addi %mul3A_2, %add3A_3 : i32
    "tpu.region"() ({
      %run_scoped3A = tpu.sem_alloc : memref<!tpu.dma_semaphore, #tpu.memory_space<semaphore_mem>>
      %dma_start3A_99 = tpu.memref_slice %arg2[%add3A_4] : memref<204800xi32, #tpu.memory_space<hbm>> -> memref<320xi32, #tpu.memory_space<hbm>>
      %dma_start3A_100 = tpu.memref_slice %arg2[%add3A_4] : memref<204800xi32, #tpu.memory_space<hbm>> -> memref<320xi32, #tpu.memory_space<hbm>>
      tpu.enqueue_dma source(%dma_start3A_100 : memref<320xi32, #tpu.memory_space<hbm>>) target(%arg5 : memref<320xi32, #tpu.memory_space<vmem>>) target_semaphore(%run_scoped3A : memref<!tpu.dma_semaphore, #tpu.memory_space<semaphore_mem>>)
      %dma_wait3A_101 = tpu.memref_slice %arg2[%add3A_4] : memref<204800xi32, #tpu.memory_space<hbm>> -> memref<320xi32, #tpu.memory_space<hbm>>
      %dma_wait3A_102 = tpu.memref_slice %arg2[%add3A_4] : memref<204800xi32, #tpu.memory_space<hbm>> -> memref<320xi32, #tpu.memory_space<hbm>>
      tpu.wait_dma2 semaphore(%run_scoped3A : memref<!tpu.dma_semaphore, #tpu.memory_space<semaphore_mem>>) src(%dma_wait3A_102 : memref<320xi32, #tpu.memory_space<hbm>>) dst(%arg5 : memref<320xi32, #tpu.memory_space<vmem>>)
      tpu.yield
    }) : () -> ()
    %dma_start3A = arith.constant 0 : i32
    %dma_start3A_5 = arith.constant 0 : i32
    %dma_start3A_6 = tpu.memref_slice %arg8[%dma_start3A, %dma_start3A_5] : memref<320x128xf32, #tpu.memory_space<vmem>> -> memref<128x128xf32, #tpu.memory_space<vmem>>
    %dma_start3A_7 = arith.constant 0 : i32
    %dma_start3A_8 = tpu.memref_slice %arg5[%dma_start3A_7] : memref<320xi32, #tpu.memory_space<vmem>> -> memref<128xi32, #tpu.memory_space<vmem>>
    %dma_start3A_9 = arith.constant 0 : i32
    %dma_start3A_10 = arith.constant 0 : i32
    %dma_start3A_11 = tpu.memref_slice %arg3[%dma_start3A_9, %dma_start3A_10] : memref<100000x128xf32, #tpu.memory_space<hbm>> -> memref<100000x128xf32, #tpu.memory_space<hbm>>
    tpu.enqueue_indirect_dma source(%dma_start3A_11 : memref<100000x128xf32, #tpu.memory_space<hbm>>) target(%dma_start3A_6 : memref<128x128xf32, #tpu.memory_space<vmem>>) offsets(%dma_start3A_8 : memref<128xi32, #tpu.memory_space<vmem>>) semaphore(%arg11 : memref<!tpu.dma_semaphore, #tpu.memory_space<semaphore_mem>>)
    %dma_start3A_12 = arith.constant 128 : i32
    %dma_start3A_13 = arith.constant 0 : i32
    %dma_start3A_14 = tpu.memref_slice %arg8[%dma_start3A_12, %dma_start3A_13] : memref<320x128xf32, #tpu.memory_space<vmem>> -> memref<128x128xf32, #tpu.memory_space<vmem>>
    %dma_start3A_15 = arith.constant 128 : i32
    %dma_start3A_16 = tpu.memref_slice %arg5[%dma_start3A_15] : memref<320xi32, #tpu.memory_space<vmem>> -> memref<128xi32, #tpu.memory_space<vmem>>
    %dma_start3A_17 = arith.constant 0 : i32
    %dma_start3A_18 = arith.constant 0 : i32
    %dma_start3A_19 = tpu.memref_slice %arg3[%dma_start3A_17, %dma_start3A_18] : memref<100000x128xf32, #tpu.memory_space<hbm>> -> memref<100000x128xf32, #tpu.memory_space<hbm>>
    tpu.enqueue_indirect_dma source(%dma_start3A_19 : memref<100000x128xf32, #tpu.memory_space<hbm>>) target(%dma_start3A_14 : memref<128x128xf32, #tpu.memory_space<vmem>>) offsets(%dma_start3A_16 : memref<128xi32, #tpu.memory_space<vmem>>) semaphore(%arg11 : memref<!tpu.dma_semaphore, #tpu.memory_space<semaphore_mem>>)
    %dma_start3A_20 = arith.constant 256 : i32
    %dma_start3A_21 = arith.constant 0 : i32
    %dma_start3A_22 = tpu.memref_slice %arg8[%dma_start3A_20, %dma_start3A_21] : memref<320x128xf32, #tpu.memory_space<vmem>> -> memref<64x128xf32, #tpu.memory_space<vmem>>
    %dma_start3A_23 = arith.constant 256 : i32
    %dma_start3A_24 = tpu.memref_slice %arg5[%dma_start3A_23] : memref<320xi32, #tpu.memory_space<vmem>> -> memref<64xi32, #tpu.memory_space<vmem>>
    %dma_start3A_25 = arith.constant 0 : i32
    %dma_start3A_26 = arith.constant 0 : i32
    %dma_start3A_27 = tpu.memref_slice %arg3[%dma_start3A_25, %dma_start3A_26] : memref<100000x128xf32, #tpu.memory_space<hbm>> -> memref<100000x128xf32, #tpu.memory_space<hbm>>
    tpu.enqueue_indirect_dma source(%dma_start3A_27 : memref<100000x128xf32, #tpu.memory_space<hbm>>) target(%dma_start3A_22 : memref<64x128xf32, #tpu.memory_space<vmem>>) offsets(%dma_start3A_24 : memref<64xi32, #tpu.memory_space<vmem>>) semaphore(%arg11 : memref<!tpu.dma_semaphore, #tpu.memory_space<semaphore_mem>>)
    %add3A_28 = arith.constant 320 : i32
    %add3A_29 = arith.addi %mul3A_2, %add3A_28 : i32
    "tpu.region"() ({
      %run_scoped3A = tpu.sem_alloc : memref<!tpu.dma_semaphore, #tpu.memory_space<semaphore_mem>>
      %dma_start3A_99 = tpu.memref_slice %arg2[%add3A_29] : memref<204800xi32, #tpu.memory_space<hbm>> -> memref<320xi32, #tpu.memory_space<hbm>>
      %dma_start3A_100 = tpu.memref_slice %arg2[%add3A_29] : memref<204800xi32, #tpu.memory_space<hbm>> -> memref<320xi32, #tpu.memory_space<hbm>>
      tpu.enqueue_dma source(%dma_start3A_100 : memref<320xi32, #tpu.memory_space<hbm>>) target(%arg6 : memref<320xi32, #tpu.memory_space<vmem>>) target_semaphore(%run_scoped3A : memref<!tpu.dma_semaphore, #tpu.memory_space<semaphore_mem>>)
      %dma_wait3A_101 = tpu.memref_slice %arg2[%add3A_29] : memref<204800xi32, #tpu.memory_space<hbm>> -> memref<320xi32, #tpu.memory_space<hbm>>
      %dma_wait3A_102 = tpu.memref_slice %arg2[%add3A_29] : memref<204800xi32, #tpu.memory_space<hbm>> -> memref<320xi32, #tpu.memory_space<hbm>>
      tpu.wait_dma2 semaphore(%run_scoped3A : memref<!tpu.dma_semaphore, #tpu.memory_space<semaphore_mem>>) src(%dma_wait3A_102 : memref<320xi32, #tpu.memory_space<hbm>>) dst(%arg6 : memref<320xi32, #tpu.memory_space<vmem>>)
      tpu.yield
    }) : () -> ()
    %dma_start3A_30 = arith.constant 0 : i32
    %dma_start3A_31 = arith.constant 0 : i32
    %dma_start3A_32 = tpu.memref_slice %arg9[%dma_start3A_30, %dma_start3A_31] : memref<320x128xf32, #tpu.memory_space<vmem>> -> memref<128x128xf32, #tpu.memory_space<vmem>>
    %dma_start3A_33 = arith.constant 0 : i32
    %dma_start3A_34 = tpu.memref_slice %arg6[%dma_start3A_33] : memref<320xi32, #tpu.memory_space<vmem>> -> memref<128xi32, #tpu.memory_space<vmem>>
    %dma_start3A_35 = arith.constant 0 : i32
    %dma_start3A_36 = arith.constant 0 : i32
    %dma_start3A_37 = tpu.memref_slice %arg3[%dma_start3A_35, %dma_start3A_36] : memref<100000x128xf32, #tpu.memory_space<hbm>> -> memref<100000x128xf32, #tpu.memory_space<hbm>>
    tpu.enqueue_indirect_dma source(%dma_start3A_37 : memref<100000x128xf32, #tpu.memory_space<hbm>>) target(%dma_start3A_32 : memref<128x128xf32, #tpu.memory_space<vmem>>) offsets(%dma_start3A_34 : memref<128xi32, #tpu.memory_space<vmem>>) semaphore(%arg12 : memref<!tpu.dma_semaphore, #tpu.memory_space<semaphore_mem>>)
    %dma_start3A_38 = arith.constant 128 : i32
    %dma_start3A_39 = arith.constant 0 : i32
    %dma_start3A_40 = tpu.memref_slice %arg9[%dma_start3A_38, %dma_start3A_39] : memref<320x128xf32, #tpu.memory_space<vmem>> -> memref<128x128xf32, #tpu.memory_space<vmem>>
    %dma_start3A_41 = arith.constant 128 : i32
    %dma_start3A_42 = tpu.memref_slice %arg6[%dma_start3A_41] : memref<320xi32, #tpu.memory_space<vmem>> -> memref<128xi32, #tpu.memory_space<vmem>>
    %dma_start3A_43 = arith.constant 0 : i32
    %dma_start3A_44 = arith.constant 0 : i32
    %dma_start3A_45 = tpu.memref_slice %arg3[%dma_start3A_43, %dma_start3A_44] : memref<100000x128xf32, #tpu.memory_space<hbm>> -> memref<100000x128xf32, #tpu.memory_space<hbm>>
    tpu.enqueue_indirect_dma source(%dma_start3A_45 : memref<100000x128xf32, #tpu.memory_space<hbm>>) target(%dma_start3A_40 : memref<128x128xf32, #tpu.memory_space<vmem>>) offsets(%dma_start3A_42 : memref<128xi32, #tpu.memory_space<vmem>>) semaphore(%arg12 : memref<!tpu.dma_semaphore, #tpu.memory_space<semaphore_mem>>)
    %dma_start3A_46 = arith.constant 256 : i32
    %dma_start3A_47 = arith.constant 0 : i32
    %dma_start3A_48 = tpu.memref_slice %arg9[%dma_start3A_46, %dma_start3A_47] : memref<320x128xf32, #tpu.memory_space<vmem>> -> memref<64x128xf32, #tpu.memory_space<vmem>>
    %dma_start3A_49 = arith.constant 256 : i32
    %dma_start3A_50 = tpu.memref_slice %arg6[%dma_start3A_49] : memref<320xi32, #tpu.memory_space<vmem>> -> memref<64xi32, #tpu.memory_space<vmem>>
    %dma_start3A_51 = arith.constant 0 : i32
    %dma_start3A_52 = arith.constant 0 : i32
    %dma_start3A_53 = tpu.memref_slice %arg3[%dma_start3A_51, %dma_start3A_52] : memref<100000x128xf32, #tpu.memory_space<hbm>> -> memref<100000x128xf32, #tpu.memory_space<hbm>>
    tpu.enqueue_indirect_dma source(%dma_start3A_53 : memref<100000x128xf32, #tpu.memory_space<hbm>>) target(%dma_start3A_48 : memref<64x128xf32, #tpu.memory_space<vmem>>) offsets(%dma_start3A_50 : memref<64xi32, #tpu.memory_space<vmem>>) semaphore(%arg12 : memref<!tpu.dma_semaphore, #tpu.memory_space<semaphore_mem>>)
    %scan3A = arith.constant 0 : i32
    %scan3A_54 = arith.constant 6 : i32
    %scan3A_55 = arith.addi %scan3A, %scan3A_54 : i32
    %scan3A_56 = arith.constant 1 : i32
    scf.for %scan3A_99 = %scan3A to %scan3A_55 step %scan3A_56  : i32 {
      %mul3A_100 = arith.constant 1 : i32
      %mul3A_101 = arith.muli %scan3A_99, %mul3A_100 : i32
      %add3A_102 = arith.constant 0 : i32
      %add3A_103 = arith.addi %add3A_102, %mul3A_101 : i32
      %mul3A_104 = arith.constant 3 : i32
      %mul3A_105 = arith.muli %mul3A_104, %add3A_103 : i32
      %add3A_106 = arith.constant 0 : i32
      %add3A_107 = arith.addi %mul3A_105, %add3A_106 : i32
      %dma_wait3A_108 = arith.constant 0 : i32
      %dma_wait3A_109 = arith.constant 0 : i32
      %dma_wait3A_110 = tpu.memref_slice %arg3[%dma_wait3A_108, %dma_wait3A_109] : memref<100000x128xf32, #tpu.memory_space<hbm>> -> memref<320x128xf32, #tpu.memory_space<hbm>>
      %dma_wait3A_111 = arith.constant 0 : i32
      %dma_wait3A_112 = arith.constant 0 : i32
      %dma_wait3A_113 = tpu.memref_slice %arg3[%dma_wait3A_111, %dma_wait3A_112] : memref<100000x128xf32, #tpu.memory_space<hbm>> -> memref<320x128xf32, #tpu.memory_space<hbm>>
      tpu.wait_dma2 semaphore(%arg11 : memref<!tpu.dma_semaphore, #tpu.memory_space<semaphore_mem>>) src(%dma_wait3A_113 : memref<320x128xf32, #tpu.memory_space<hbm>>) dst(%arg8 : memref<320x128xf32, #tpu.memory_space<vmem>>)
      %mul3A_114 = arith.constant 320 : i32
      %mul3A_115 = arith.muli %add3A_107, %mul3A_114 : i32
      %add3A_116 = arith.addi %mul3A_2, %mul3A_115 : i32
      %dma_start3A_117 = arith.constant 0 : i32
      %dma_start3A_118 = tpu.memref_slice %arg4[%add3A_116, %dma_start3A_117] : memref<204800x128xf32, #tpu.memory_space<hbm>> -> memref<320x128xf32, #tpu.memory_space<hbm>>
      %dma_start3A_119 = arith.constant 0 : i32
      %dma_start3A_120 = tpu.memref_slice %arg4[%add3A_116, %dma_start3A_119] : memref<204800x128xf32, #tpu.memory_space<hbm>> -> memref<320x128xf32, #tpu.memory_space<hbm>>
      tpu.enqueue_dma source(%arg8 : memref<320x128xf32, #tpu.memory_space<vmem>>) target(%dma_start3A_120 : memref<320x128xf32, #tpu.memory_space<hbm>>) target_semaphore(%arg14 : memref<!tpu.dma_semaphore, #tpu.memory_space<semaphore_mem>>)
      %gt3A = arith.constant 0 : i32
      %gt3A_121 = arith.cmpi sgt, %add3A_103, %gt3A : i32
      %convert_element_type3A = arith.extui %gt3A_121 : i1 to i32
      %cond3A = arith.constant 0 : i32
      %cond3A_122 = arith.cmpi ne, %convert_element_type3A, %cond3A : i32
      scf.if %cond3A_122 {
        %dma_wait3A_252 = arith.constant 0 : i32
        %dma_wait3A_253 = arith.constant 0 : i32
        %dma_wait3A_254 = tpu.memref_slice %arg4[%dma_wait3A_252, %dma_wait3A_253] : memref<204800x128xf32, #tpu.memory_space<hbm>> -> memref<320x128xf32, #tpu.memory_space<hbm>>
        %dma_wait3A_255 = arith.constant 0 : i32
        %dma_wait3A_256 = arith.constant 0 : i32
        %dma_wait3A_257 = tpu.memref_slice %arg4[%dma_wait3A_255, %dma_wait3A_256] : memref<204800x128xf32, #tpu.memory_space<hbm>> -> memref<320x128xf32, #tpu.memory_space<hbm>>
        tpu.wait_dma2 semaphore(%arg16 : memref<!tpu.dma_semaphore, #tpu.memory_space<semaphore_mem>>) src(%arg10 : memref<320x128xf32, #tpu.memory_space<vmem>>) dst(%dma_wait3A_257 : memref<320x128xf32, #tpu.memory_space<hbm>>)
      } else {
      }
      %add3A_123 = arith.constant 2 : i32
      %add3A_124 = arith.addi %add3A_107, %add3A_123 : i32
      %mul3A_125 = arith.constant 320 : i32
      %mul3A_126 = arith.muli %add3A_124, %mul3A_125 : i32
      %add3A_127 = arith.addi %mul3A_2, %mul3A_126 : i32
      "tpu.region"() ({
        %run_scoped3A = tpu.sem_alloc : memref<!tpu.dma_semaphore, #tpu.memory_space<semaphore_mem>>
        %dma_start3A_252 = tpu.memref_slice %arg2[%add3A_127] : memref<204800xi32, #tpu.memory_space<hbm>> -> memref<320xi32, #tpu.memory_space<hbm>>
        %dma_start3A_253 = tpu.memref_slice %arg2[%add3A_127] : memref<204800xi32, #tpu.memory_space<hbm>> -> memref<320xi32, #tpu.memory_space<hbm>>
        tpu.enqueue_dma source(%dma_start3A_253 : memref<320xi32, #tpu.memory_space<hbm>>) target(%arg7 : memref<320xi32, #tpu.memory_space<vmem>>) target_semaphore(%run_scoped3A : memref<!tpu.dma_semaphore, #tpu.memory_space<semaphore_mem>>)
        %dma_wait3A_254 = tpu.memref_slice %arg2[%add3A_127] : memref<204800xi32, #tpu.memory_space<hbm>> -> memref<320xi32, #tpu.memory_space<hbm>>
        %dma_wait3A_255 = tpu.memref_slice %arg2[%add3A_127] : memref<204800xi32, #tpu.memory_space<hbm>> -> memref<320xi32, #tpu.memory_space<hbm>>
        tpu.wait_dma2 semaphore(%run_scoped3A : memref<!tpu.dma_semaphore, #tpu.memory_space<semaphore_mem>>) src(%dma_wait3A_255 : memref<320xi32, #tpu.memory_space<hbm>>) dst(%arg7 : memref<320xi32, #tpu.memory_space<vmem>>)
        tpu.yield
      }) : () -> ()
      %dma_start3A_128 = arith.constant 0 : i32
      %dma_start3A_129 = arith.constant 0 : i32
      %dma_start3A_130 = tpu.memref_slice %arg10[%dma_start3A_128, %dma_start3A_129] : memref<320x128xf32, #tpu.memory_space<vmem>> -> memref<128x128xf32, #tpu.memory_space<vmem>>
      %dma_start3A_131 = arith.constant 0 : i32
      %dma_start3A_132 = tpu.memref_slice %arg7[%dma_start3A_131] : memref<320xi32, #tpu.memory_space<vmem>> -> memref<128xi32, #tpu.memory_space<vmem>>
      %dma_start3A_133 = arith.constant 0 : i32
      %dma_start3A_134 = arith.constant 0 : i32
      %dma_start3A_135 = tpu.memref_slice %arg3[%dma_start3A_133, %dma_start3A_134] : memref<100000x128xf32, #tpu.memory_space<hbm>> -> memref<100000x128xf32, #tpu.memory_space<hbm>>
      tpu.enqueue_indirect_dma source(%dma_start3A_135 : memref<100000x128xf32, #tpu.memory_space<hbm>>) target(%dma_start3A_130 : memref<128x128xf32, #tpu.memory_space<vmem>>) offsets(%dma_start3A_132 : memref<128xi32, #tpu.memory_space<vmem>>) semaphore(%arg13 : memref<!tpu.dma_semaphore, #tpu.memory_space<semaphore_mem>>)
      %dma_start3A_136 = arith.constant 128 : i32
      %dma_start3A_137 = arith.constant 0 : i32
      %dma_start3A_138 = tpu.memref_slice %arg10[%dma_start3A_136, %dma_start3A_137] : memref<320x128xf32, #tpu.memory_space<vmem>> -> memref<128x128xf32, #tpu.memory_space<vmem>>
      %dma_start3A_139 = arith.constant 128 : i32
      %dma_start3A_140 = tpu.memref_slice %arg7[%dma_start3A_139] : memref<320xi32, #tpu.memory_space<vmem>> -> memref<128xi32, #tpu.memory_space<vmem>>
      %dma_start3A_141 = arith.constant 0 : i32
      %dma_start3A_142 = arith.constant 0 : i32
      %dma_start3A_143 = tpu.memref_slice %arg3[%dma_start3A_141, %dma_start3A_142] : memref<100000x128xf32, #tpu.memory_space<hbm>> -> memref<100000x128xf32, #tpu.memory_space<hbm>>
      tpu.enqueue_indirect_dma source(%dma_start3A_143 : memref<100000x128xf32, #tpu.memory_space<hbm>>) target(%dma_start3A_138 : memref<128x128xf32, #tpu.memory_space<vmem>>) offsets(%dma_start3A_140 : memref<128xi32, #tpu.memory_space<vmem>>) semaphore(%arg13 : memref<!tpu.dma_semaphore, #tpu.memory_space<semaphore_mem>>)
      %dma_start3A_144 = arith.constant 256 : i32
      %dma_start3A_145 = arith.constant 0 : i32
      %dma_start3A_146 = tpu.memref_slice %arg10[%dma_start3A_144, %dma_start3A_145] : memref<320x128xf32, #tpu.memory_space<vmem>> -> memref<64x128xf32, #tpu.memory_space<vmem>>
      %dma_start3A_147 = arith.constant 256 : i32
      %dma_start3A_148 = tpu.memref_slice %arg7[%dma_start3A_147] : memref<320xi32, #tpu.memory_space<vmem>> -> memref<64xi32, #tpu.memory_space<vmem>>
      %dma_start3A_149 = arith.constant 0 : i32
      %dma_start3A_150 = arith.constant 0 : i32
      %dma_start3A_151 = tpu.memref_slice %arg3[%dma_start3A_149, %dma_start3A_150] : memref<100000x128xf32, #tpu.memory_space<hbm>> -> memref<100000x128xf32, #tpu.memory_space<hbm>>
      tpu.enqueue_indirect_dma source(%dma_start3A_151 : memref<100000x128xf32, #tpu.memory_space<hbm>>) target(%dma_start3A_146 : memref<64x128xf32, #tpu.memory_space<vmem>>) offsets(%dma_start3A_148 : memref<64xi32, #tpu.memory_space<vmem>>) semaphore(%arg13 : memref<!tpu.dma_semaphore, #tpu.memory_space<semaphore_mem>>)
      %add3A_152 = arith.constant 1 : i32
      %add3A_153 = arith.addi %mul3A_105, %add3A_152 : i32
      %dma_wait3A_154 = arith.constant 0 : i32
      %dma_wait3A_155 = arith.constant 0 : i32
      %dma_wait3A_156 = tpu.memref_slice %arg3[%dma_wait3A_154, %dma_wait3A_155] : memref<100000x128xf32, #tpu.memory_space<hbm>> -> memref<320x128xf32, #tpu.memory_space<hbm>>
      %dma_wait3A_157 = arith.constant 0 : i32
      %dma_wait3A_158 = arith.constant 0 : i32
      %dma_wait3A_159 = tpu.memref_slice %arg3[%dma_wait3A_157, %dma_wait3A_158] : memref<100000x128xf32, #tpu.memory_space<hbm>> -> memref<320x128xf32, #tpu.memory_space<hbm>>
      tpu.wait_dma2 semaphore(%arg12 : memref<!tpu.dma_semaphore, #tpu.memory_space<semaphore_mem>>) src(%dma_wait3A_159 : memref<320x128xf32, #tpu.memory_space<hbm>>) dst(%arg9 : memref<320x128xf32, #tpu.memory_space<vmem>>)
      %mul3A_160 = arith.constant 320 : i32
      %mul3A_161 = arith.muli %add3A_153, %mul3A_160 : i32
      %add3A_162 = arith.addi %mul3A_2, %mul3A_161 : i32
      %dma_start3A_163 = arith.constant 0 : i32
      %dma_start3A_164 = tpu.memref_slice %arg4[%add3A_162, %dma_start3A_163] : memref<204800x128xf32, #tpu.memory_space<hbm>> -> memref<320x128xf32, #tpu.memory_space<hbm>>
      %dma_start3A_165 = arith.constant 0 : i32
      %dma_start3A_166 = tpu.memref_slice %arg4[%add3A_162, %dma_start3A_165] : memref<204800x128xf32, #tpu.memory_space<hbm>> -> memref<320x128xf32, #tpu.memory_space<hbm>>
      tpu.enqueue_dma source(%arg9 : memref<320x128xf32, #tpu.memory_space<vmem>>) target(%dma_start3A_166 : memref<320x128xf32, #tpu.memory_space<hbm>>) target_semaphore(%arg15 : memref<!tpu.dma_semaphore, #tpu.memory_space<semaphore_mem>>)
      %dma_wait3A_167 = arith.constant 0 : i32
      %dma_wait3A_168 = arith.constant 0 : i32
      %dma_wait3A_169 = tpu.memref_slice %arg4[%dma_wait3A_167, %dma_wait3A_168] : memref<204800x128xf32, #tpu.memory_space<hbm>> -> memref<320x128xf32, #tpu.memory_space<hbm>>
      %dma_wait3A_170 = arith.constant 0 : i32
      %dma_wait3A_171 = arith.constant 0 : i32
      %dma_wait3A_172 = tpu.memref_slice %arg4[%dma_wait3A_170, %dma_wait3A_171] : memref<204800x128xf32, #tpu.memory_space<hbm>> -> memref<320x128xf32, #tpu.memory_space<hbm>>
      tpu.wait_dma2 semaphore(%arg14 : memref<!tpu.dma_semaphore, #tpu.memory_space<semaphore_mem>>) src(%arg8 : memref<320x128xf32, #tpu.memory_space<vmem>>) dst(%dma_wait3A_172 : memref<320x128xf32, #tpu.memory_space<hbm>>)
      %add3A_173 = arith.constant 2 : i32
      %add3A_174 = arith.addi %add3A_153, %add3A_173 : i32
      %mul3A_175 = arith.constant 320 : i32
      %mul3A_176 = arith.muli %add3A_174, %mul3A_175 : i32
      %add3A_177 = arith.addi %mul3A_2, %mul3A_176 : i32
      "tpu.region"() ({
        %run_scoped3A = tpu.sem_alloc : memref<!tpu.dma_semaphore, #tpu.memory_space<semaphore_mem>>
        %dma_start3A_252 = tpu.memref_slice %arg2[%add3A_177] : memref<204800xi32, #tpu.memory_space<hbm>> -> memref<320xi32, #tpu.memory_space<hbm>>
        %dma_start3A_253 = tpu.memref_slice %arg2[%add3A_177] : memref<204800xi32, #tpu.memory_space<hbm>> -> memref<320xi32, #tpu.memory_space<hbm>>
        tpu.enqueue_dma source(%dma_start3A_253 : memref<320xi32, #tpu.memory_space<hbm>>) target(%arg5 : memref<320xi32, #tpu.memory_space<vmem>>) target_semaphore(%run_scoped3A : memref<!tpu.dma_semaphore, #tpu.memory_space<semaphore_mem>>)
        %dma_wait3A_254 = tpu.memref_slice %arg2[%add3A_177] : memref<204800xi32, #tpu.memory_space<hbm>> -> memref<320xi32, #tpu.memory_space<hbm>>
        %dma_wait3A_255 = tpu.memref_slice %arg2[%add3A_177] : memref<204800xi32, #tpu.memory_space<hbm>> -> memref<320xi32, #tpu.memory_space<hbm>>
        tpu.wait_dma2 semaphore(%run_scoped3A : memref<!tpu.dma_semaphore, #tpu.memory_space<semaphore_mem>>) src(%dma_wait3A_255 : memref<320xi32, #tpu.memory_space<hbm>>) dst(%arg5 : memref<320xi32, #tpu.memory_space<vmem>>)
        tpu.yield
      }) : () -> ()
      %dma_start3A_178 = arith.constant 0 : i32
      %dma_start3A_179 = arith.constant 0 : i32
      %dma_start3A_180 = tpu.memref_slice %arg8[%dma_start3A_178, %dma_start3A_179] : memref<320x128xf32, #tpu.memory_space<vmem>> -> memref<128x128xf32, #tpu.memory_space<vmem>>
      %dma_start3A_181 = arith.constant 0 : i32
      %dma_start3A_182 = tpu.memref_slice %arg5[%dma_start3A_181] : memref<320xi32, #tpu.memory_space<vmem>> -> memref<128xi32, #tpu.memory_space<vmem>>
      %dma_start3A_183 = arith.constant 0 : i32
      %dma_start3A_184 = arith.constant 0 : i32
      %dma_start3A_185 = tpu.memref_slice %arg3[%dma_start3A_183, %dma_start3A_184] : memref<100000x128xf32, #tpu.memory_space<hbm>> -> memref<100000x128xf32, #tpu.memory_space<hbm>>
      tpu.enqueue_indirect_dma source(%dma_start3A_185 : memref<100000x128xf32, #tpu.memory_space<hbm>>) target(%dma_start3A_180 : memref<128x128xf32, #tpu.memory_space<vmem>>) offsets(%dma_start3A_182 : memref<128xi32, #tpu.memory_space<vmem>>) semaphore(%arg11 : memref<!tpu.dma_semaphore, #tpu.memory_space<semaphore_mem>>)
      %dma_start3A_186 = arith.constant 128 : i32
      %dma_start3A_187 = arith.constant 0 : i32
      %dma_start3A_188 = tpu.memref_slice %arg8[%dma_start3A_186, %dma_start3A_187] : memref<320x128xf32, #tpu.memory_space<vmem>> -> memref<128x128xf32, #tpu.memory_space<vmem>>
      %dma_start3A_189 = arith.constant 128 : i32
      %dma_start3A_190 = tpu.memref_slice %arg5[%dma_start3A_189] : memref<320xi32, #tpu.memory_space<vmem>> -> memref<128xi32, #tpu.memory_space<vmem>>
      %dma_start3A_191 = arith.constant 0 : i32
      %dma_start3A_192 = arith.constant 0 : i32
      %dma_start3A_193 = tpu.memref_slice %arg3[%dma_start3A_191, %dma_start3A_192] : memref<100000x128xf32, #tpu.memory_space<hbm>> -> memref<100000x128xf32, #tpu.memory_space<hbm>>
      tpu.enqueue_indirect_dma source(%dma_start3A_193 : memref<100000x128xf32, #tpu.memory_space<hbm>>) target(%dma_start3A_188 : memref<128x128xf32, #tpu.memory_space<vmem>>) offsets(%dma_start3A_190 : memref<128xi32, #tpu.memory_space<vmem>>) semaphore(%arg11 : memref<!tpu.dma_semaphore, #tpu.memory_space<semaphore_mem>>)
      %dma_start3A_194 = arith.constant 256 : i32
      %dma_start3A_195 = arith.constant 0 : i32
      %dma_start3A_196 = tpu.memref_slice %arg8[%dma_start3A_194, %dma_start3A_195] : memref<320x128xf32, #tpu.memory_space<vmem>> -> memref<64x128xf32, #tpu.memory_space<vmem>>
      %dma_start3A_197 = arith.constant 256 : i32
      %dma_start3A_198 = tpu.memref_slice %arg5[%dma_start3A_197] : memref<320xi32, #tpu.memory_space<vmem>> -> memref<64xi32, #tpu.memory_space<vmem>>
      %dma_start3A_199 = arith.constant 0 : i32
      %dma_start3A_200 = arith.constant 0 : i32
      %dma_start3A_201 = tpu.memref_slice %arg3[%dma_start3A_199, %dma_start3A_200] : memref<100000x128xf32, #tpu.memory_space<hbm>> -> memref<100000x128xf32, #tpu.memory_space<hbm>>
      tpu.enqueue_indirect_dma source(%dma_start3A_201 : memref<100000x128xf32, #tpu.memory_space<hbm>>) target(%dma_start3A_196 : memref<64x128xf32, #tpu.memory_space<vmem>>) offsets(%dma_start3A_198 : memref<64xi32, #tpu.memory_space<vmem>>) semaphore(%arg11 : memref<!tpu.dma_semaphore, #tpu.memory_space<semaphore_mem>>)
      %add3A_202 = arith.constant 2 : i32
      %add3A_203 = arith.addi %mul3A_105, %add3A_202 : i32
      %dma_wait3A_204 = arith.constant 0 : i32
      %dma_wait3A_205 = arith.constant 0 : i32
      %dma_wait3A_206 = tpu.memref_slice %arg3[%dma_wait3A_204, %dma_wait3A_205] : memref<100000x128xf32, #tpu.memory_space<hbm>> -> memref<320x128xf32, #tpu.memory_space<hbm>>
      %dma_wait3A_207 = arith.constant 0 : i32
      %dma_wait3A_208 = arith.constant 0 : i32
      %dma_wait3A_209 = tpu.memref_slice %arg3[%dma_wait3A_207, %dma_wait3A_208] : memref<100000x128xf32, #tpu.memory_space<hbm>> -> memref<320x128xf32, #tpu.memory_space<hbm>>
      tpu.wait_dma2 semaphore(%arg13 : memref<!tpu.dma_semaphore, #tpu.memory_space<semaphore_mem>>) src(%dma_wait3A_209 : memref<320x128xf32, #tpu.memory_space<hbm>>) dst(%arg10 : memref<320x128xf32, #tpu.memory_space<vmem>>)
      %mul3A_210 = arith.constant 320 : i32
      %mul3A_211 = arith.muli %add3A_203, %mul3A_210 : i32
      %add3A_212 = arith.addi %mul3A_2, %mul3A_211 : i32
      %dma_start3A_213 = arith.constant 0 : i32
      %dma_start3A_214 = tpu.memref_slice %arg4[%add3A_212, %dma_start3A_213] : memref<204800x128xf32, #tpu.memory_space<hbm>> -> memref<320x128xf32, #tpu.memory_space<hbm>>
      %dma_start3A_215 = arith.constant 0 : i32
      %dma_start3A_216 = tpu.memref_slice %arg4[%add3A_212, %dma_start3A_215] : memref<204800x128xf32, #tpu.memory_space<hbm>> -> memref<320x128xf32, #tpu.memory_space<hbm>>
      tpu.enqueue_dma source(%arg10 : memref<320x128xf32, #tpu.memory_space<vmem>>) target(%dma_start3A_216 : memref<320x128xf32, #tpu.memory_space<hbm>>) target_semaphore(%arg16 : memref<!tpu.dma_semaphore, #tpu.memory_space<semaphore_mem>>)
      %dma_wait3A_217 = arith.constant 0 : i32
      %dma_wait3A_218 = arith.constant 0 : i32
      %dma_wait3A_219 = tpu.memref_slice %arg4[%dma_wait3A_217, %dma_wait3A_218] : memref<204800x128xf32, #tpu.memory_space<hbm>> -> memref<320x128xf32, #tpu.memory_space<hbm>>
      %dma_wait3A_220 = arith.constant 0 : i32
      %dma_wait3A_221 = arith.constant 0 : i32
      %dma_wait3A_222 = tpu.memref_slice %arg4[%dma_wait3A_220, %dma_wait3A_221] : memref<204800x128xf32, #tpu.memory_space<hbm>> -> memref<320x128xf32, #tpu.memory_space<hbm>>
      tpu.wait_dma2 semaphore(%arg15 : memref<!tpu.dma_semaphore, #tpu.memory_space<semaphore_mem>>) src(%arg9 : memref<320x128xf32, #tpu.memory_space<vmem>>) dst(%dma_wait3A_222 : memref<320x128xf32, #tpu.memory_space<hbm>>)
      %add3A_223 = arith.constant 2 : i32
      %add3A_224 = arith.addi %add3A_203, %add3A_223 : i32
      %mul3A_225 = arith.constant 320 : i32
      %mul3A_226 = arith.muli %add3A_224, %mul3A_225 : i32
      %add3A_227 = arith.addi %mul3A_2, %mul3A_226 : i32
      "tpu.region"() ({
        %run_scoped3A = tpu.sem_alloc : memref<!tpu.dma_semaphore, #tpu.memory_space<semaphore_mem>>
        %dma_start3A_252 = tpu.memref_slice %arg2[%add3A_227] : memref<204800xi32, #tpu.memory_space<hbm>> -> memref<320xi32, #tpu.memory_space<hbm>>
        %dma_start3A_253 = tpu.memref_slice %arg2[%add3A_227] : memref<204800xi32, #tpu.memory_space<hbm>> -> memref<320xi32, #tpu.memory_space<hbm>>
        tpu.enqueue_dma source(%dma_start3A_253 : memref<320xi32, #tpu.memory_space<hbm>>) target(%arg6 : memref<320xi32, #tpu.memory_space<vmem>>) target_semaphore(%run_scoped3A : memref<!tpu.dma_semaphore, #tpu.memory_space<semaphore_mem>>)
        %dma_wait3A_254 = tpu.memref_slice %arg2[%add3A_227] : memref<204800xi32, #tpu.memory_space<hbm>> -> memref<320xi32, #tpu.memory_space<hbm>>
        %dma_wait3A_255 = tpu.memref_slice %arg2[%add3A_227] : memref<204800xi32, #tpu.memory_space<hbm>> -> memref<320xi32, #tpu.memory_space<hbm>>
        tpu.wait_dma2 semaphore(%run_scoped3A : memref<!tpu.dma_semaphore, #tpu.memory_space<semaphore_mem>>) src(%dma_wait3A_255 : memref<320xi32, #tpu.memory_space<hbm>>) dst(%arg6 : memref<320xi32, #tpu.memory_space<vmem>>)
        tpu.yield
      }) : () -> ()
      %dma_start3A_228 = arith.constant 0 : i32
      %dma_start3A_229 = arith.constant 0 : i32
      %dma_start3A_230 = tpu.memref_slice %arg9[%dma_start3A_228, %dma_start3A_229] : memref<320x128xf32, #tpu.memory_space<vmem>> -> memref<128x128xf32, #tpu.memory_space<vmem>>
      %dma_start3A_231 = arith.constant 0 : i32
      %dma_start3A_232 = tpu.memref_slice %arg6[%dma_start3A_231] : memref<320xi32, #tpu.memory_space<vmem>> -> memref<128xi32, #tpu.memory_space<vmem>>
      %dma_start3A_233 = arith.constant 0 : i32
      %dma_start3A_234 = arith.constant 0 : i32
      %dma_start3A_235 = tpu.memref_slice %arg3[%dma_start3A_233, %dma_start3A_234] : memref<100000x128xf32, #tpu.memory_space<hbm>> -> memref<100000x128xf32, #tpu.memory_space<hbm>>
      tpu.enqueue_indirect_dma source(%dma_start3A_235 : memref<100000x128xf32, #tpu.memory_space<hbm>>) target(%dma_start3A_230 : memref<128x128xf32, #tpu.memory_space<vmem>>) offsets(%dma_start3A_232 : memref<128xi32, #tpu.memory_space<vmem>>) semaphore(%arg12 : memref<!tpu.dma_semaphore, #tpu.memory_space<semaphore_mem>>)
      %dma_start3A_236 = arith.constant 128 : i32
      %dma_start3A_237 = arith.constant 0 : i32
      %dma_start3A_238 = tpu.memref_slice %arg9[%dma_start3A_236, %dma_start3A_237] : memref<320x128xf32, #tpu.memory_space<vmem>> -> memref<128x128xf32, #tpu.memory_space<vmem>>
      %dma_start3A_239 = arith.constant 128 : i32
      %dma_start3A_240 = tpu.memref_slice %arg6[%dma_start3A_239] : memref<320xi32, #tpu.memory_space<vmem>> -> memref<128xi32, #tpu.memory_space<vmem>>
      %dma_start3A_241 = arith.constant 0 : i32
      %dma_start3A_242 = arith.constant 0 : i32
      %dma_start3A_243 = tpu.memref_slice %arg3[%dma_start3A_241, %dma_start3A_242] : memref<100000x128xf32, #tpu.memory_space<hbm>> -> memref<100000x128xf32, #tpu.memory_space<hbm>>
      tpu.enqueue_indirect_dma source(%dma_start3A_243 : memref<100000x128xf32, #tpu.memory_space<hbm>>) target(%dma_start3A_238 : memref<128x128xf32, #tpu.memory_space<vmem>>) offsets(%dma_start3A_240 : memref<128xi32, #tpu.memory_space<vmem>>) semaphore(%arg12 : memref<!tpu.dma_semaphore, #tpu.memory_space<semaphore_mem>>)
      %dma_start3A_244 = arith.constant 256 : i32
      %dma_start3A_245 = arith.constant 0 : i32
      %dma_start3A_246 = tpu.memref_slice %arg9[%dma_start3A_244, %dma_start3A_245] : memref<320x128xf32, #tpu.memory_space<vmem>> -> memref<64x128xf32, #tpu.memory_space<vmem>>
      %dma_start3A_247 = arith.constant 256 : i32
      %dma_start3A_248 = tpu.memref_slice %arg6[%dma_start3A_247] : memref<320xi32, #tpu.memory_space<vmem>> -> memref<64xi32, #tpu.memory_space<vmem>>
      %dma_start3A_249 = arith.constant 0 : i32
      %dma_start3A_250 = arith.constant 0 : i32
      %dma_start3A_251 = tpu.memref_slice %arg3[%dma_start3A_249, %dma_start3A_250] : memref<100000x128xf32, #tpu.memory_space<hbm>> -> memref<100000x128xf32, #tpu.memory_space<hbm>>
      tpu.enqueue_indirect_dma source(%dma_start3A_251 : memref<100000x128xf32, #tpu.memory_space<hbm>>) target(%dma_start3A_246 : memref<64x128xf32, #tpu.memory_space<vmem>>) offsets(%dma_start3A_248 : memref<64xi32, #tpu.memory_space<vmem>>) semaphore(%arg12 : memref<!tpu.dma_semaphore, #tpu.memory_space<semaphore_mem>>)
    }
    %scan3A_57 = arith.constant 6 : i32
    %dma_wait3A = arith.constant 0 : i32
    %dma_wait3A_58 = arith.constant 0 : i32
    %dma_wait3A_59 = tpu.memref_slice %arg3[%dma_wait3A, %dma_wait3A_58] : memref<100000x128xf32, #tpu.memory_space<hbm>> -> memref<320x128xf32, #tpu.memory_space<hbm>>
    %dma_wait3A_60 = arith.constant 0 : i32
    %dma_wait3A_61 = arith.constant 0 : i32
    %dma_wait3A_62 = tpu.memref_slice %arg3[%dma_wait3A_60, %dma_wait3A_61] : memref<100000x128xf32, #tpu.memory_space<hbm>> -> memref<320x128xf32, #tpu.memory_space<hbm>>
    tpu.wait_dma2 semaphore(%arg11 : memref<!tpu.dma_semaphore, #tpu.memory_space<semaphore_mem>>) src(%dma_wait3A_62 : memref<320x128xf32, #tpu.memory_space<hbm>>) dst(%arg8 : memref<320x128xf32, #tpu.memory_space<vmem>>)
    %add3A_63 = arith.constant 5760 : i32
    %add3A_64 = arith.addi %mul3A_2, %add3A_63 : i32
    %dma_start3A_65 = arith.constant 0 : i32
    %dma_start3A_66 = tpu.memref_slice %arg4[%add3A_64, %dma_start3A_65] : memref<204800x128xf32, #tpu.memory_space<hbm>> -> memref<320x128xf32, #tpu.memory_space<hbm>>
    %dma_start3A_67 = arith.constant 0 : i32
    %dma_start3A_68 = tpu.memref_slice %arg4[%add3A_64, %dma_start3A_67] : memref<204800x128xf32, #tpu.memory_space<hbm>> -> memref<320x128xf32, #tpu.memory_space<hbm>>
    tpu.enqueue_dma source(%arg8 : memref<320x128xf32, #tpu.memory_space<vmem>>) target(%dma_start3A_68 : memref<320x128xf32, #tpu.memory_space<hbm>>) target_semaphore(%arg14 : memref<!tpu.dma_semaphore, #tpu.memory_space<semaphore_mem>>)
    %dma_wait3A_69 = arith.constant 0 : i32
    %dma_wait3A_70 = arith.constant 0 : i32
    %dma_wait3A_71 = tpu.memref_slice %arg4[%dma_wait3A_69, %dma_wait3A_70] : memref<204800x128xf32, #tpu.memory_space<hbm>> -> memref<320x128xf32, #tpu.memory_space<hbm>>
    %dma_wait3A_72 = arith.constant 0 : i32
    %dma_wait3A_73 = arith.constant 0 : i32
    %dma_wait3A_74 = tpu.memref_slice %arg4[%dma_wait3A_72, %dma_wait3A_73] : memref<204800x128xf32, #tpu.memory_space<hbm>> -> memref<320x128xf32, #tpu.memory_space<hbm>>
    tpu.wait_dma2 semaphore(%arg16 : memref<!tpu.dma_semaphore, #tpu.memory_space<semaphore_mem>>) src(%arg10 : memref<320x128xf32, #tpu.memory_space<vmem>>) dst(%dma_wait3A_74 : memref<320x128xf32, #tpu.memory_space<hbm>>)
    %dma_wait3A_75 = arith.constant 0 : i32
    %dma_wait3A_76 = arith.constant 0 : i32
    %dma_wait3A_77 = tpu.memref_slice %arg3[%dma_wait3A_75, %dma_wait3A_76] : memref<100000x128xf32, #tpu.memory_space<hbm>> -> memref<320x128xf32, #tpu.memory_space<hbm>>
    %dma_wait3A_78 = arith.constant 0 : i32
    %dma_wait3A_79 = arith.constant 0 : i32
    %dma_wait3A_80 = tpu.memref_slice %arg3[%dma_wait3A_78, %dma_wait3A_79] : memref<100000x128xf32, #tpu.memory_space<hbm>> -> memref<320x128xf32, #tpu.memory_space<hbm>>
    tpu.wait_dma2 semaphore(%arg12 : memref<!tpu.dma_semaphore, #tpu.memory_space<semaphore_mem>>) src(%dma_wait3A_80 : memref<320x128xf32, #tpu.memory_space<hbm>>) dst(%arg9 : memref<320x128xf32, #tpu.memory_space<vmem>>)
    %add3A_81 = arith.constant 6080 : i32
    %add3A_82 = arith.addi %mul3A_2, %add3A_81 : i32
    %dma_start3A_83 = arith.constant 0 : i32
    %dma_start3A_84 = tpu.memref_slice %arg4[%add3A_82, %dma_start3A_83] : memref<204800x128xf32, #tpu.memory_space<hbm>> -> memref<320x128xf32, #tpu.memory_space<hbm>>
    %dma_start3A_85 = arith.constant 0 : i32
    %dma_start3A_86 = tpu.memref_slice %arg4[%add3A_82, %dma_start3A_85] : memref<204800x128xf32, #tpu.memory_space<hbm>> -> memref<320x128xf32, #tpu.memory_space<hbm>>
    tpu.enqueue_dma source(%arg9 : memref<320x128xf32, #tpu.memory_space<vmem>>) target(%dma_start3A_86 : memref<320x128xf32, #tpu.memory_space<hbm>>) target_semaphore(%arg15 : memref<!tpu.dma_semaphore, #tpu.memory_space<semaphore_mem>>)
    %dma_wait3A_87 = arith.constant 0 : i32
    %dma_wait3A_88 = arith.constant 0 : i32
    %dma_wait3A_89 = tpu.memref_slice %arg4[%dma_wait3A_87, %dma_wait3A_88] : memref<204800x128xf32, #tpu.memory_space<hbm>> -> memref<320x128xf32, #tpu.memory_space<hbm>>
    %dma_wait3A_90 = arith.constant 0 : i32
    %dma_wait3A_91 = arith.constant 0 : i32
    %dma_wait3A_92 = tpu.memref_slice %arg4[%dma_wait3A_90, %dma_wait3A_91] : memref<204800x128xf32, #tpu.memory_space<hbm>> -> memref<320x128xf32, #tpu.memory_space<hbm>>
    tpu.wait_dma2 semaphore(%arg14 : memref<!tpu.dma_semaphore, #tpu.memory_space<semaphore_mem>>) src(%arg8 : memref<320x128xf32, #tpu.memory_space<vmem>>) dst(%dma_wait3A_92 : memref<320x128xf32, #tpu.memory_space<hbm>>)
    %dma_wait3A_93 = arith.constant 0 : i32
    %dma_wait3A_94 = arith.constant 0 : i32
    %dma_wait3A_95 = tpu.memref_slice %arg4[%dma_wait3A_93, %dma_wait3A_94] : memref<204800x128xf32, #tpu.memory_space<hbm>> -> memref<320x128xf32, #tpu.memory_space<hbm>>
    %dma_wait3A_96 = arith.constant 0 : i32
    %dma_wait3A_97 = arith.constant 0 : i32
    %dma_wait3A_98 = tpu.memref_slice %arg4[%dma_wait3A_96, %dma_wait3A_97] : memref<204800x128xf32, #tpu.memory_space<hbm>> -> memref<320x128xf32, #tpu.memory_space<hbm>>
    tpu.wait_dma2 semaphore(%arg15 : memref<!tpu.dma_semaphore, #tpu.memory_space<semaphore_mem>>) src(%arg9 : memref<320x128xf32, #tpu.memory_space<vmem>>) dst(%dma_wait3A_98 : memref<320x128xf32, #tpu.memory_space<hbm>>)
    return
  }
}

</mosaic_0001>

<sc_bundles>
// kernel: kernel.3.cloned.1.call-start
scs
__scs_entry_jumppad:
0x0: {  	(pc) =	sbr.rel $0x88, $3  }
0x1: {  	(tag) =	ssettag $0x0;
	lr =	simm.s32 $0x1  }
0x2: {  	[smem:$0x3F9F] =	sst lr;
	_ =	strace $0xD0000000  }
0x3: {  	_ = 	snop  }
0x4: {  	_ = 	snop  }
0x5: {  	_ = 	snop  }
0x6: {  	_ = 	snop  }
0x7: {  	_ = 	snop  }
__scs_overlays_trampoline_lowered:
0x8: {  	[smem:$0x3FAE] =	sst s0  }
0x9: {  	[smem:$0x3FAF] =	sst s1  }
0xa: {  	[smem:$0x3FB0] =	sst s2  }
0xb: {  	[smem:$0x3FB1] =	sst s3  }
0xc: {  	[smem:$0x3FB2] =	sst s4  }
0xd: {  	[smem:$0x3FB3] =	sst s5  }
0xe: {  	[smem:$0x3FB4] =	sst s6  }
0xf: {  	[smem:$0x3FB5] =	sst s7  }
0x10: {  	[smem:$0x3FB6] =	sst s8  }
0x11: {  	[smem:$0x3FB7] =	sst s9;
	s0 =	simm.s32 @!p0 $0x0  }
0x12: {  	s1 =	sld [smem:$0x3F9D];
	s0 =	simm.s32 @p0 $0x1  }
0x13: {  	[smem:$0x3FB8] =	sst s0;
	s0 =	simm.s32 @!p1 $0x0  }
0x14: {  	s2 =	sld [smem:$0x3F9C];
	s0 =	simm.s32 @p1 $0x1  }
0x15: {  	[smem:$0x3FB9] =	sst s0;
	s0 =	simm.s32 @!p2 $0x0  }
0x16: {  	s3 =	sld [smem:$0x3FDB];
	s0 =	simm.s32 @p2 $0x1  }
0x17: {  	s4 =	simm.s32 $0x1BF5;
	[smem:$0x3FBB] =	sst s0  }
0x18: {  	s0 =	sld [smem:$0x3F9E];
	_ =	swait.ge [sflag:s4], $0x0  }
0x19: {  	s7 =	sld [smem:$0x3F9F]  }
0x1a: {  	s8 =	sadd.s32 $0xFFFFE003, lr  }
0x1b: {  	s9 =	sadd.s32 $0xFFFFFEF7, lr;
	s5 =	simm.s32 $0xFFFFFFFF;
	p2 =	slt.u32 s8, $0xFFFFF086  }
0x1c: {  	p1 =	slt.u32 s9, $0xF7A;
	s5 =	simm.s32 @!p2 $0x0  }
0x1d: {  	s5 =	simm.s32 @p1 $0x1;
	p0 =	seq.s32 s7, s2  }
0x1e: {  	s7 =	smul.u32 @!p0 $0xF7A, s2;
	p2 =	seq.s32 @!p0 s5, $0x0  }
0x1f: {  	s9 =	smul.u32 $0xF7A, s1;
	s8 =	simm.s32 @!p0 $0x1BF5;
	p2 =	por !p2, p0  }
0x20: {  	[sflag:s8] =	ssyncset.s32 @!p0 $0xFFFFF086;
	s6 =	sadd.s32 @!p0 s3, s7;
	s7 =	simm.s32 @!p0 $0x108  }
0x21: {  	s3 =	sadd.s32 s3, s9;
	s6 =	sadd.s32 @!p0 $0x88, s6;
	s7 =	simm.s32 @p2 $0x1082  }
0x22: {  	[simem:s7], [sflag:s8] =	dma.local @!p0 [hbm:s6], $0xF7A  }
0x23: {  	s9 =	sor.u32 $0xD0000000, s2;
	s6 =	simm.s32 $0x108;
	_ =	swait.ge @!p0 [sflag:s8], $0x0  }
0x24: {  	s3 =	sadd.s32 $0x88, s3;
	s6 =	simm.s32 @!p1 $0x1082;
	[sflag:s4] =	ssyncset.s32 $0xFFFFF086  }
0x25: {  	[simem:s6], [sflag:s4] =	dma.local [hbm:s3], $0xF7A  }
0x26: {  	[smem:$0x3F9F] =	sst s1;
	(tag) =	ssettag s2;
	_ =	strace s9  }
0x27: {  	s1 =	sld [smem:$0x3FAF]  }
0x28: {  	s2 =	sld [smem:$0x3FB0]  }
0x29: {  	s4 =	sld [smem:$0x3FB2]  }
0x2a: {  	p0 =	seq.s32 s5, $0x0;
	s5 =	sld [smem:$0x3FB3]  }
0x2b: {  	s6 =	sld [smem:$0x3FB4]  }
0x2c: {  	s7 =	sld [smem:$0x3FB5]  }
0x2d: {  	s3 =	simm.s32 $0x108;
	s8 =	sld [smem:$0x3FB6]  }
0x2e: {  	s3 =	simm.s32 @!p0 $0x1082;
	s9 =	sld [smem:$0x3FB7]  }
0x2f: {  	lr =	sadd.s32 s0, s3;
	s0 =	sld [smem:$0x3FAE]  }
0x30: {  	s3 =	sld [smem:$0x3FB1]  }
0x31: {  	[smem:$0x3FBA] =	sst s10  }
0x32: {  	s10 =	sld [smem:$0x3FB8];
	_ =	sdelay $0x3  }
0x33: {  	p0 =	seq.s32 s10, $0x1;
	s10 =	sld [smem:$0x3FBA];
	_ =	sdelay $0x3  }
0x34: {  	[smem:$0x3FBA] =	sst s10  }
0x35: {  	s10 =	sld [smem:$0x3FB9];
	_ =	sdelay $0x3  }
0x36: {  	p1 =	seq.s32 s10, $0x1;
	s10 =	sld [smem:$0x3FBA];
	_ =	sdelay $0x3  }
0x37: {  	[smem:$0x3FBA] =	sst s10  }
0x38: {  	s10 =	sld [smem:$0x3FBB]  }
0x39: {  	_ = 	snop;
	(pc) =	sbr.ind lr, $3  }
0x3a: {  	_ = 	snop  }
0x3b: {  	_ = 	snop  }
0x3c: {  	p2 =	seq.s32 s10, $0x1;
	s10 =	sld [smem:$0x3FBA]  }
0x3d: {  	_ =	shalt  }
0x3e: {  	_ =	shalt  }
0x3f: {  	_ =	shalt  }
0x40: {  	_ =	shalt  }
0x41: {  	_ =	shalt  }
0x42: {  	_ =	shalt  }
0x43: {  	_ =	shalt  }
0x44: {  	_ =	shalt  }
0x45: {  	_ =	shalt  }
0x46: {  	_ =	shalt  }
0x47: {  	_ =	shalt  }
0x48: {  	_ =	shalt  }
0x49: {  	_ =	shalt  }
0x4a: {  	_ =	shalt  }
0x4b: {  	_ =	shalt  }
0x4c: {  	_ =	shalt  }
0x4d: {  	_ =	shalt  }
0x4e: {  	_ =	shalt  }
0x4f: {  	_ =	shalt  }
0x50: {  	_ =	shalt  }
0x51: {  	_ =	shalt  }
0x52: {  	_ =	shalt  }
0x53: {  	_ =	shalt  }
0x54: {  	_ =	shalt  }
0x55: {  	_ =	shalt  }
0x56: {  	_ =	shalt  }
0x57: {  	_ =	shalt  }
0x58: {  	_ =	shalt  }
0x59: {  	_ =	shalt  }
0x5a: {  	_ =	shalt  }
0x5b: {  	_ =	shalt  }
0x5c: {  	_ =	shalt  }
0x5d: {  	_ =	shalt  }
0x5e: {  	_ =	shalt  }
0x5f: {  	_ =	shalt  }
0x60: {  	_ =	shalt  }
0x61: {  	_ =	shalt  }
0x62: {  	_ =	shalt  }
0x63: {  	_ =	shalt  }
0x64: {  	_ =	shalt  }
0x65: {  	_ =	shalt  }
0x66: {  	_ =	shalt  }
0x67: {  	_ =	shalt  }
0x68: {  	_ =	shalt  }
0x69: {  	_ =	shalt  }
0x6a: {  	_ =	shalt  }
0x6b: {  	_ =	shalt  }
0x6c: {  	_ =	shalt  }
0x6d: {  	_ =	shalt  }
0x6e: {  	_ =	shalt  }
0x6f: {  	_ =	shalt  }
0x70: {  	_ =	shalt  }
0x71: {  	_ =	shalt  }
0x72: {  	_ =	shalt  }
0x73: {  	_ =	shalt  }
0x74: {  	_ =	shalt  }
0x75: {  	_ =	shalt  }
0x76: {  	_ =	shalt  }
0x77: {  	_ =	shalt  }
0x78: {  	_ =	shalt  }
0x79: {  	_ =	shalt  }
0x7a: {  	_ =	shalt  }
0x7b: {  	_ =	shalt  }
0x7c: {  	_ =	shalt  }
0x7d: {  	_ =	shalt  }
0x7e: {  	_ =	shalt  }
0x7f: {  	_ =	shalt  }
0x80: {  	_ =	shalt  }
0x81: {  	_ =	shalt  }
0x82: {  	_ =	shalt  }
0x83: {  	_ =	shalt  }
0x84: {  	_ =	shalt  }
0x85: {  	_ =	shalt  }
0x86: {  	_ =	shalt  }
0x87: {  	_ =	shalt  }
.Lfunc_end0:
.L_simem_size_0:
called_computation_lowered:
.L_overlay_start_0:
0x88: {  	s2 =	sld [smem:$0x3FD9]  }
0x89: {  	s3 =	sld [smem:$0x3FFE];
	_ =	sdelay $0x1  }
0x8a: {  	s1 =	srdreg.scid  }
0x8b: {  	s0 =	sand.u32 $0x1, s1  }
0x8c: {  	s17 =	sshll.u32 s0, $0xA;
	s2 =	sadd.s32 s3, s2  }
0x8d: {  	s2 =	sadd.s32 s2, s17  }
0x8e: {  	[smem:$0x3FC6] =	sst s2  }
0x8f: {  	_ = 	snop  }
0x90: {  	s2 =	sld [smem:$0x3FC8]  }
0x91: {  	s18 =	sld [smem:$0x3FD0];
	(tm) =	ssettm $0x1  }
0x92: {  	s4 =	sld [smem:$0x3FFB];
	_ =	sdelay $0x3  }
0x93: {  	_ =	strace s4  }
0x94: {  	s4 =	sld [smem:$0x3FFC];
	_ =	sdelay $0x3  }
0x95: {  	_ =	strace s4  }
0x96: {  	s4 =	sld [smem:$0x3FFD];
	_ =	sdelay $0x3  }
0x97: {  	_ =	strace s4  }
0x98: {  	_ =	strace $0x8FFFFFFF  }
0x99: {  	s19 =	sld [smem:$0x3FDB];
	_ =	sdelay $0x1  }
0x9a: {  	s5 =	simm.s32 $_scs_section_size  }
0x9b: {  	s6 =	simm.s32 $_size__tile_overlayer_lowered;
	s7 =	simm.s32 $_tile_overlayer_lowered  }
0x9c: {  	s22 =	simm.s32 $0x1BFF;
	s21 =	sshll.u32 s7, $0x1;
	s4 =	sadd.s32 s5, s19  }
0x9d: {  	s8 =	simm.s32 $0x0;
	s20 =	sshll.u32 s6, $0x1;
	s6 =	sadd.s32 s21, s4  }
0x9e: {  	[timem:s8], [sflag:s22] =	dma.local [hbm:s6], s20  }
0x9f: {  	_ =	swait.ge [sflag:s22], s20  }
0xa0: {  	s5 =	ssub.s32 $0x0, s20;
	[sflag:s22] =	ssyncset.done $0x0  }
0xa1: {  	[sflag:s22] =	ssyncadd.s32 s5;
	_ =	sdelay $0x1  }
0xa2: {  	s23 =	simm.s32 $0x1B8B  }
0xa3: {  	_ =	swait.ge [sflag:s23], $0x1  }
0xa4: {  	[sflag:s23] =	ssyncset.done $0x0  }
0xa5: {  	s25 =	simm.s32 $0x1B8E;
	s24 =	sld [smem:$0x3FFE];
	[sflag:s23] =	ssyncadd.s32 $0xFFFFFFFF  }
0xa6: {  	s26 =	simm.s32 $execute0_lowered;
	[smem:$0x3FD2] =	sst s25  }
0xa7: {  	s6 =	sshll.u32 s26, $0x1;
	_ =	strace $0x80000046;
	[dreg:$0x1] =	wrdreg $0xFFFFFFFF  }
0xa8: {  	s28 =	simm.s32 $_size_execute0_lowered;
	s4 =	sadd.s32 s4, s6;
	[dreg:$0x0] =	wrdreg $0x0  }
0xa9: {  	s6 =	sshll.u32 s28, $0x1;
	[dreg:$0x2] =	wrdreg s4  }
0xaa: {  	[dreg:$0x3] =	wrdreg s6  }
0xab: {  	[dreg:$0x4] =	wrdreg $0xC0  }
0xac: {  	_ =	task [dreg:s8], $0x5FFFF  }
0xad: {  	[dreg:$0x1] =	wrdreg $0xFFFFFFFF  }
0xae: {  	[dreg:$0x0] =	wrdreg $0x60  }
0xaf: {  	[dreg:$0x2] =	wrdreg s24  }
0xb0: {  	[dreg:$0x3] =	wrdreg s2  }
0xb1: {  	[dreg:$0x4] =	wrdreg s18  }
0xb2: {  	[dreg:$0x5] =	wrdreg $0x9  }
0xb3: {  	_ =	task.clear_ibuf [dreg:s8], $0x6FFFF;
	_ =	strace $0x90000046  }
0xb4: {  	s29 =	simm.s32 $0x9;
	_ =	strace $0x80000048  }
0xb5: {  	_ =	swait.ge [sflag:s29], $0x1  }
0xb6: {  	[sflag:s29] =	ssyncadd.s32 $0xFFFFFFFF  }
0xb7: {  	_ =	strace $0x90000048  }
0xb8: {  	_ =	sfence  }
0xb9: {  	s30 =	sld [smem:$0x0];
	_ =	sdelay $0x2  }
0xba: {  	s31 =	sshll.u32 s1, $0xD;
	s1 =	sshrl.u32 s1, $0x2  }
0xbb: {  	s3 =	sand.u32 $0x4000, s31;
	s1 =	sadd.s32 s1, s30  }
0xbc: {  	s0 =	sor.u32 s3, s0;
	s1 =	sshll.u32 s1, $0x11  }
0xbd: {  	s0 =	sor.u32 s1, s0  }
0xbe: {  	s0 =	sadd.s32 $0x8F2B, s0  }
0xbf: {  	[sflag:s0] =	ssyncadd.remote.s32 $0x1  }
0xc0: {  	_ =	sfence.sel $0xFFFF  }
0xc1: {  	[dreg:$0x0] =	wrdreg $0xFFFFFFFF;
	(pc) =	sbr.abs _section_cstart, $3  }
0xc2: {  	[dreg:$0x1] =	wrdreg $0xFFFFFFFF  }
0xc3: {  	_ =	task.clear_ibuf [dreg:s8], $0x2FFFF;
	_ =	strace $0x9FFFFFFF  }
0xc4: {  	(tm) =	ssettm $0x7FFFFFFF  }
0xc5: {  	_ =	shalt  }
tec
execute0_lowered:
.L_overlay_start_1:
0x0: {  	(tag) =	ssettag $0x1  }
0x1: {  	s0 =	rddreg [dreg:$0x0]  }
0x2: {  	s1 =	srdreg.scid;
	s2 =	rddreg [dreg:$0x1]  }
0x3: {  	s10 =	stileid.u32;
	s5 =	rddreg [dreg:$0x2]  }
0x4: {  	s23 =	simm.s32 $0x380;
	s24 =	simm.s32 $0x18480;
	s25 =	simm.s32 $0x400  }
0x5: {  	s28 =	simm.s32 $0x300;
	s29 =	simm.s32 $0x14480;
	s9 =	smul.u32 $0x3200, s10  }
0x6: {  	s1 =	sand.u32 $0x1, s1;
	s3 =	sshll.u32 s10, $0x1;
	s16 =	smul.u32 $0x32000, s10  }
0x7: {  	s30 =	simm.s32 $0x2;
	s4 =	sor.u32 s1, s3;
	s12 =	smul.u32 $0x1900, s1  }
0x8: {  	s3 =	simm.s32 $0x0;
	s7 =	ssub.s32 $0x2, s1;
	s1 =	smul.u32 $0x19000, s1  }
0x9: {  	s31 =	simm.s32 $0x4;
	s6 =	smul.u32 $0x1900, s4;
	[smem:$0x7FF] =	sst s3  }
0xa: {  	s8 =	smul.u32 $0xC8000, s4;
	s4 =	sadd.s32 $0x400, s0;
	s26 =	sshrl.u32 s7, $0x1  }
0xb: {  	_ =	strace $0x80000047;
	s0 =	ssub.s32 s7, s26;
	[dreg:$0x5] =	wrdreg s23  }
0xc: {  	s15 =	sadd.s32 s12, s9;
	s12 =	simm.s32 $0x4480;
	[dreg:$0x6] =	wrdreg s24  }
0xd: {  	s23 =	simm.s32 $0xE480;
	[dreg:$0x7] =	wrdreg s25;
	s26 =	simm.s32 $0x1C480  }
0xe: {  	s24 =	simm.s32 $0x280;
	s25 =	simm.s32 $0x12480;
	s6 =	sshrl.u32 s6, $0x3  }
0xf: {  	s8 =	sshrl.u32 s8, $0x3;
	s0 =	smax.u32 s0, $0x1;
	s17 =	sadd.s32 $0x500, s15  }
0x10: {  	s18 =	sadd.s32 $0x280, s15;
	s21 =	sadd.s32 $0x3C0, s15;
	[dreg:$0x8] =	wrdreg s26  }
0x11: {  	s15 =	simm.s32 $0x480;
	s26 =	simm.s32 $0x1;
	[dreg:$0xd] =	wrdreg s0  }
0x12: {  	s11 =	sadd.s32 s4, s6;
	s8 =	sadd.s32 s5, s8;
	[dreg:$0xf] =	wrdreg s21  }
0x13: {  	s0 =	sshrl.u32 s17, $0x3;
	[dreg:$0x9] =	wrdreg s11;
	s13 =	sadd.s32 $0x28, s11  }
0x14: {  	s5 =	sadd.s32 s16, s5;
	s14 =	sadd.s32 $0x16800, s8;
	[dreg:$0xa] =	wrdreg s13  }
0x15: {  	s20 =	sshrl.u32 s18, $0x3;
	s6 =	sadd.s32 $0x17C00, s8;
	[dreg:$0xb] =	wrdreg s14  }
0x16: {  	s17 =	simm.s32 $0x40;
	s0 =	sadd.s32 s0, s4;
	[dreg:$0xc] =	wrdreg s6  }
0x17: {  	s18 =	simm.s32 $0x100;
	s19 =	sadd.s32 s1, s5;
	[dreg:$0xe] =	wrdreg s0  }
0x18: {  	s21 =	simm.s32 $0xA480;
	s22 =	sadd.s32 s20, s4;
	[dreg:$0x4] =	wrdreg s19  }
0x19: {  	s20 =	simm.s32 $0x180;
	s1 =	simm.s32 $0x3;
	[dreg:$0x10] =	wrdreg s22  }
0x1a: {  	s13 =	simm.s32 $0x7;
	s14 =	simm.s32 $0x80;
	s19 =	simm.s32 $0x8480  }
0x1b: {  	s22 =	simm.s32 $0x200;
	s0 =	simm.s32 $0x5;
	s6 =	simm.s32 $0x0  }
.LBB2_1:
0x1c: {  	[dreg:$0x11] =	wrdreg s6  }
0x1d: {  	s5 =	rddreg [dreg:$0x9]  }
0x1e: {  	[tilespmem:s3], [sflag:$0x7] =	stream.linear.gather [hbm4b:s5+s3], $0x140, $0x38;
	[tilespmem:$0x1E480] =	vst v63  }
0x1f: {  	_ =	swait.ge [sflag:s13], $0x140  }
0x20: {  	[sflag:s13] =	ssyncset.done $0x0  }
0x21: {  	[sflag:s13] =	ssyncadd.s32 $0xFFFFFEC0  }
0x22: {  	[tilespmem:s15], [sflag:$0x1] =	stream.indirect.gather [hbm4b:s2+s14], $0x80, s3, s14, $0xb8;
	[tilespmem:$0x1E480] =	vst v63  }
0x23: {  	_ = 	snop  }
0x24: {  	[tilespmem:s12], [sflag:$0x1] =	stream.indirect.gather [hbm4b:s2+s14], $0x80, s14, s14, $0xb8;
	[tilespmem:$0x1E480] =	vst v63  }
0x25: {  	_ = 	snop  }
0x26: {  	[tilespmem:s19], [sflag:$0x1] =	stream.indirect.gather [hbm4b:s2+s17], $0x80, s18, s17, $0xb8;
	[tilespmem:$0x1E480] =	vst v63  }
0x27: {  	s16 =	rddreg [dreg:$0xa]  }
0x28: {  	[tilespmem:s20], [sflag:$0x7] =	stream.linear.gather [hbm4b:s16+s3], $0x140, $0x38;
	[tilespmem:$0x1E480] =	vst v63  }
0x29: {  	_ =	swait.ge [sflag:s13], $0x140  }
0x2a: {  	[sflag:s13] =	ssyncset.done $0x0  }
0x2b: {  	[sflag:s13] =	ssyncadd.s32 $0xFFFFFEC0  }
0x2c: {  	[tilespmem:s21], [sflag:$0x2] =	stream.indirect.gather [hbm4b:s2+s14], $0x80, s20, s14, $0xb8;
	[tilespmem:$0x1E480] =	vst v63  }
0x2d: {  	_ = 	snop  }
0x2e: {  	[tilespmem:s23], [sflag:$0x2] =	stream.indirect.gather [hbm4b:s2+s14], $0x80, s22, s14, $0xb8;
	[tilespmem:$0x1E480] =	vst v63  }
0x2f: {  	_ = 	snop  }
0x30: {  	[tilespmem:s25], [sflag:$0x2] =	stream.indirect.gather [hbm4b:s2+s17], $0x80, s24, s17, $0xb8;
	[tilespmem:$0x1E480] =	vst v63  }
0x31: {  	_ =	swait.ge [sflag:s26], $0xA000  }
0x32: {  	p0 =	por $0x1, $0x1;
	s6 =	rddreg [dreg:$0x4];
	[sflag:s26] =	ssyncset.done $0x0  }
0x33: {  	[sflag:s26] =	ssyncadd.s32 $0xFFFF6000;
	s5 =	sadd.s32 $0x0, s6;
	s6 =	simm.s32 @!p0 $0x6  }
0x34: {  	[hbm4b:s5+s3] =	stream.linear.scatter [tilespmem:s15], [sflag:$0x4], $0xA000, $0x38;
	[tilespmem:$0x1E480] =	vst v63  }
0x35: {  	_ =	swait.ge @!p0 [sflag:s6], $0xA000  }
0x36: {  	[sflag:s6] =	ssyncset.done @!p0 $0x0  }
0x37: {  	s11 =	rddreg [dreg:$0x10];
	[sflag:s6] =	ssyncadd.s32 @!p0 $0xFFFF6000  }
0x38: {  	[tilespmem:s28], [sflag:$0x7] =	stream.linear.gather [hbm4b:s11+s3], $0x140, $0x38;
	[tilespmem:$0x1E480] =	vst v63  }
0x39: {  	_ =	swait.ge [sflag:s13], $0x140  }
0x3a: {  	s7 =	rddreg [dreg:$0x7];
	[sflag:s13] =	ssyncset.done $0x0  }
0x3b: {  	s8 =	rddreg [dreg:$0x5];
	[sflag:s13] =	ssyncadd.s32 $0xFFFFFEC0  }
0x3c: {  	[tilespmem:s29], [sflag:$0x3] =	stream.indirect.gather [hbm4b:s2+s14], $0x80, s28, s14, $0xb8;
	[tilespmem:$0x1E480] =	vst v63  }
0x3d: {  	s9 =	rddreg [dreg:$0x6]  }
0x3e: {  	[tilespmem:s9], [sflag:$0x3] =	stream.indirect.gather [hbm4b:s2+s14], $0x80, s8, s14, $0xb8;
	[tilespmem:$0x1E480] =	vst v63  }
0x3f: {  	s10 =	rddreg [dreg:$0x8]  }
0x40: {  	[tilespmem:s10], [sflag:$0x3] =	stream.indirect.gather [hbm4b:s2+s17], $0x80, s7, s17, $0xb8;
	[tilespmem:$0x1E480] =	vst v63  }
0x41: {  	_ =	swait.ge [sflag:s30], $0xA000  }
0x42: {  	[sflag:s30] =	ssyncset.done $0x0  }
0x43: {  	s9 =	sadd.s32 $0x1400, s5;
	[sflag:s30] =	ssyncadd.s32 $0xFFFF6000  }
0x44: {  	[hbm4b:s9+s3] =	stream.linear.scatter [tilespmem:s21], [sflag:$0x5], $0xA000, $0x38;
	[tilespmem:$0x1E480] =	vst v63  }
0x45: {  	_ =	swait.ge [sflag:s31], $0xA000  }
0x46: {  	s7 =	rddreg [dreg:$0xf]  }
0x47: {  	[sflag:s31] =	ssyncset.done $0x0;
	s10 =	sshrl.u32 s7, $0x3  }
0x48: {  	[sflag:s31] =	ssyncadd.s32 $0xFFFF6000;
	s6 =	sadd.s32 s4, s10  }
0x49: {  	[tilespmem:s3], [sflag:$0x7] =	stream.linear.gather [hbm4b:s6+s3], $0x140, $0x38;
	[tilespmem:$0x1E480] =	vst v63  }
0x4a: {  	_ =	swait.ge [sflag:s13], $0x140  }
0x4b: {  	[sflag:s13] =	ssyncset.done $0x0  }
0x4c: {  	[sflag:s13] =	ssyncadd.s32 $0xFFFFFEC0  }
0x4d: {  	[tilespmem:s15], [sflag:$0x1] =	stream.indirect.gather [hbm4b:s2+s14], $0x80, s3, s14, $0xb8;
	[tilespmem:$0x1E480] =	vst v63  }
0x4e: {  	_ = 	snop  }
0x4f: {  	[tilespmem:s12], [sflag:$0x1] =	stream.indirect.gather [hbm4b:s2+s14], $0x80, s14, s14, $0xb8;
	[tilespmem:$0x1E480] =	vst v63  }
0x50: {  	_ = 	snop  }
0x51: {  	[tilespmem:s19], [sflag:$0x1] =	stream.indirect.gather [hbm4b:s2+s17], $0x80, s18, s17, $0xb8;
	[tilespmem:$0x1E480] =	vst v63  }
0x52: {  	_ =	swait.ge [sflag:s1], $0xA000  }
0x53: {  	[sflag:s1] =	ssyncset.done $0x0  }
0x54: {  	s5 =	sadd.s32 $0x2800, s5;
	[sflag:s1] =	ssyncadd.s32 $0xFFFF6000  }
0x55: {  	[hbm4b:s5+s3] =	stream.linear.scatter [tilespmem:s29], [sflag:$0x6], $0xA000, $0x38;
	[tilespmem:$0x1E480] =	vst v63  }
0x56: {  	_ =	swait.ge [sflag:s0], $0xA000  }
0x57: {  	[sflag:s0] =	ssyncset.done $0x0  }
0x58: {  	s16 =	rddreg [dreg:$0xe];
	[sflag:s0] =	ssyncadd.s32 $0xFFFF6000  }
0x59: {  	[tilespmem:s20], [sflag:$0x7] =	stream.linear.gather [hbm4b:s16+s3], $0x140, $0x38;
	[tilespmem:$0x1E480] =	vst v63  }
0x5a: {  	_ =	swait.ge [sflag:s13], $0x140  }
0x5b: {  	s8 =	simm.s32 $0x3C00;
	s9 =	sadd.s32 $0x3C0, s7;
	[sflag:s13] =	ssyncset.done $0x0  }
0x5c: {  	s6 =	sadd.s32 $0x78, s11;
	s5 =	sadd.s32 $0x78, s16;
	[sflag:s13] =	ssyncadd.s32 $0xFFFFFEC0  }
0x5d: {  	[tilespmem:s21], [sflag:$0x2] =	stream.indirect.gather [hbm4b:s2+s14], $0x80, s20, s14, $0xb8;
	[tilespmem:$0x1E480] =	vst v63  }
.LBB2_2:
0x5e: {  	[tilespmem:s23], [sflag:$0x2] =	stream.indirect.gather [hbm4b:s2+s14], $0x80, s22, s14, $0xb8;
	[tilespmem:$0x1E480] =	vst v63  }
0x5f: {  	_ = 	snop  }
0x60: {  	[tilespmem:s25], [sflag:$0x2] =	stream.indirect.gather [hbm4b:s2+s17], $0x80, s24, s17, $0xb8;
	[tilespmem:$0x1E480] =	vst v63  }
0x61: {  	s10 =	smov.u32 s8;
	_ =	swait.ge [sflag:s26], $0xA000  }
0x62: {  	p1 =	seq.s32 s10, $0x0;
	s11 =	rddreg [dreg:$0x4];
	[sflag:s26] =	ssyncset.done $0x0  }
0x63: {  	[sflag:s26] =	ssyncadd.s32 $0xFFFF6000;
	s10 =	sadd.s32 s10, s11;
	s11 =	simm.s32 @!p1 $0x6  }
0x64: {  	[hbm4b:s10+s3] =	stream.linear.scatter [tilespmem:s15], [sflag:$0x4], $0xA000, $0x38;
	[tilespmem:$0x1E480] =	vst v63  }
0x65: {  	_ =	swait.ge @!p1 [sflag:s11], $0xA000  }
0x66: {  	[sflag:s11] =	ssyncset.done @!p1 $0x0  }
0x67: {  	[sflag:s11] =	ssyncadd.s32 @!p1 $0xFFFF6000  }
0x68: {  	[tilespmem:s28], [sflag:$0x7] =	stream.linear.gather [hbm4b:s6+s3], $0x140, $0x38;
	[tilespmem:$0x1E480] =	vst v63  }
0x69: {  	_ =	swait.ge [sflag:s13], $0x140  }
0x6a: {  	[sflag:s13] =	ssyncset.done $0x0;
	s11 =	rddreg [dreg:$0x7]  }
0x6b: {  	s12 =	rddreg [dreg:$0x5];
	[sflag:s13] =	ssyncadd.s32 $0xFFFFFEC0  }
0x6c: {  	[tilespmem:s29], [sflag:$0x3] =	stream.indirect.gather [hbm4b:s2+s14], $0x80, s28, s14, $0xb8;
	[tilespmem:$0x1E480] =	vst v63  }
0x6d: {  	s7 =	rddreg [dreg:$0x6]  }
0x6e: {  	[tilespmem:s7], [sflag:$0x3] =	stream.indirect.gather [hbm4b:s2+s14], $0x80, s12, s14, $0xb8;
	[tilespmem:$0x1E480] =	vst v63  }
0x6f: {  	s16 =	rddreg [dreg:$0x8]  }
0x70: {  	[tilespmem:s16], [sflag:$0x3] =	stream.indirect.gather [hbm4b:s2+s17], $0x80, s11, s17, $0xb8;
	[tilespmem:$0x1E480] =	vst v63  }
0x71: {  	_ =	swait.ge [sflag:s30], $0xA000  }
0x72: {  	[sflag:s30] =	ssyncset.done $0x0  }
0x73: {  	s16 =	sadd.s32 $0x1400, s10;
	[sflag:s30] =	ssyncadd.s32 $0xFFFF6000  }
0x74: {  	[hbm4b:s16+s3] =	stream.linear.scatter [tilespmem:s21], [sflag:$0x5], $0xA000, $0x38;
	[tilespmem:$0x1E480] =	vst v63  }
0x75: {  	_ =	swait.ge [sflag:s31], $0xA000  }
0x76: {  	s11 =	sshrl.u32 s9, $0x3;
	[sflag:s31] =	ssyncset.done $0x0  }
0x77: {  	s7 =	sadd.s32 s4, s11;
	[sflag:s31] =	ssyncadd.s32 $0xFFFF6000  }
0x78: {  	[tilespmem:s3], [sflag:$0x7] =	stream.linear.gather [hbm4b:s7+s3], $0x140, $0x38;
	[tilespmem:$0x1E480] =	vst v63  }
0x79: {  	_ =	swait.ge [sflag:s13], $0x140  }
0x7a: {  	[sflag:s13] =	ssyncset.done $0x0  }
0x7b: {  	[sflag:s13] =	ssyncadd.s32 $0xFFFFFEC0  }
0x7c: {  	[tilespmem:s15], [sflag:$0x1] =	stream.indirect.gather [hbm4b:s2+s14], $0x80, s3, s14, $0xb8;
	[tilespmem:$0x1E480] =	vst v63  }
0x7d: {  	s12 =	simm.s32 $0x4480  }
0x7e: {  	[tilespmem:s12], [sflag:$0x1] =	stream.indirect.gather [hbm4b:s2+s14], $0x80, s14, s14, $0xb8;
	[tilespmem:$0x1E480] =	vst v63  }
0x7f: {  	_ = 	snop  }
0x80: {  	[tilespmem:s19], [sflag:$0x1] =	stream.indirect.gather [hbm4b:s2+s17], $0x80, s18, s17, $0xb8;
	[tilespmem:$0x1E480] =	vst v63  }
0x81: {  	_ =	swait.ge [sflag:s1], $0xA000  }
0x82: {  	[sflag:s1] =	ssyncset.done $0x0  }
0x83: {  	s16 =	sadd.s32 $0x2800, s10;
	[sflag:s1] =	ssyncadd.s32 $0xFFFF6000  }
0x84: {  	[hbm4b:s16+s3] =	stream.linear.scatter [tilespmem:s29], [sflag:$0x6], $0xA000, $0x38;
	[tilespmem:$0x1E480] =	vst v63  }
0x85: {  	_ =	swait.ge [sflag:s0], $0xA000  }
0x86: {  	s8 =	sadd.s32 $0x3C00, s8;
	[sflag:s0] =	ssyncset.done $0x0  }
0x87: {  	p0 =	sne.s32 s8, $0x16800;
	[sflag:s0] =	ssyncadd.s32 $0xFFFF6000  }
0x88: {  	[tilespmem:s20], [sflag:$0x7] =	stream.linear.gather [hbm4b:s5+s3], $0x140, $0x38;
	[tilespmem:$0x1E480] =	vst v63  }
.Ltmp0:
0x89: {  	_ = 	snop;
	(pc) =	sbr.rel @p0 .LBB2_2-.Ltmp0, $4  }
0x8a: {  	_ =	swait.ge [sflag:s13], $0x140  }
0x8b: {  	s6 =	sadd.s32 $0x78, s6;
	[sflag:s13] =	ssyncset.done $0x0  }
0x8c: {  	s9 =	sadd.s32 $0x3C0, s9;
	s5 =	sadd.s32 $0x78, s5;
	[sflag:s13] =	ssyncadd.s32 $0xFFFFFEC0  }
0x8d: {  	[tilespmem:s21], [sflag:$0x2] =	stream.indirect.gather [hbm4b:s2+s14], $0x80, s20, s14, $0xb8;
	[tilespmem:$0x1E480] =	vst v63  }
0x8e: {  	[tilespmem:s23], [sflag:$0x2] =	stream.indirect.gather [hbm4b:s2+s14], $0x80, s22, s14, $0xb8;
	[tilespmem:$0x1E480] =	vst v63  }
0x8f: {  	_ = 	snop  }
0x90: {  	[tilespmem:s25], [sflag:$0x2] =	stream.indirect.gather [hbm4b:s2+s17], $0x80, s24, s17, $0xb8;
	[tilespmem:$0x1E480] =	vst v63  }
0x91: {  	_ =	swait.ge [sflag:s26], $0xA000  }
0x92: {  	[sflag:s26] =	ssyncset.done $0x0  }
0x93: {  	s10 =	simm.s32 $0x6;
	s5 =	rddreg [dreg:$0xb];
	[sflag:s26] =	ssyncadd.s32 $0xFFFF6000  }
0x94: {  	[hbm4b:s5+s3] =	stream.linear.scatter [tilespmem:s15], [sflag:$0x4], $0xA000, $0x38;
	[tilespmem:$0x1E480] =	vst v63  }
0x95: {  	_ =	swait.ge [sflag:s10], $0xA000  }
0x96: {  	[sflag:s10] =	ssyncset.done $0x0  }
0x97: {  	[sflag:s10] =	ssyncadd.s32 $0xFFFF6000  }
0x98: {  	_ =	swait.ge [sflag:s30], $0xA000  }
0x99: {  	[sflag:s30] =	ssyncset.done $0x0  }
0x9a: {  	s11 =	rddreg [dreg:$0xc];
	[sflag:s30] =	ssyncadd.s32 $0xFFFF6000  }
0x9b: {  	[hbm4b:s11+s3] =	stream.linear.scatter [tilespmem:s21], [sflag:$0x5], $0xA000, $0x38;
	[tilespmem:$0x1E480] =	vst v63  }
0x9c: {  	_ =	swait.ge [sflag:s31], $0xA000  }
0x9d: {  	[sflag:s31] =	ssyncset.done $0x0  }
0x9e: {  	[sflag:s31] =	ssyncadd.s32 $0xFFFF6000  }
0x9f: {  	_ =	swait.ge [sflag:s0], $0xA000  }
0xa0: {  	s6 =	rddreg [dreg:$0x11]  }
0xa1: {  	s16 =	rddreg [dreg:$0xd];
	s6 =	sadd.s32 $0x1, s6  }
0xa2: {  	p0 =	sne.s32 s6, s16  }
.Ltmp1:
0xa3: {  	_ = 	snop;
	(pc) =	sbr.rel @p0 .LBB2_1-.Ltmp1, $3  }
0xa4: {  	_ =	sdelay $0x1  }
0xa5: {  	[sflag:s0] =	ssyncset.done $0x0  }
0xa6: {  	[sflag:s0] =	ssyncadd.s32 $0xFFFF6000  }
0xa7: {  	_ =	sfence.sel $0x180000  }
0xa8: {  	[bflag:$0x0] =	sbarrier.arrive $0xFFFF  }
0xa9: {  	_ =	strace $0x90000047  }
0xaa: {  	s0 =	stileid.u32;
	[bflag:$0x2] =	sbarrier.arrive $0xFFFF  }
0xab: {  	p0 =	sne.s32 s0, $0x0;
	s0 =	rddreg [dreg:$0x3]  }
0xac: {  	s0 =	sadd.s32 @!p0 $0x100000, s0  }
0xad: {  	[sflag:s0] =	ssyncadd.tile.s32 @!p0 $0x1;
	_ =	shalt  }
.Lfunc_end2:
_tile_overlayer_lowered:
.L_overlay_start_2:
0xae: {  	(tag) =	ssettag $0x2  }
0xaf: {  	s0 =	rddreg [dreg:$0x0];
	s2 =	stileid.u32  }
0xb0: {  	s1 =	rddreg [dreg:$0x1];
	p0 =	sne.s32 s2, $0x0  }
0xb1: {  	s3 =	rddreg [dreg:$0x2];
	[bflag:$0x3] =	sbarrier.arrive $0xFFFF;
	s2 =	simm.s32 @!p0 $0x1C07  }
0xb2: {  	[timem:s3], [sflag:s2] =	dma.local @!p0 [hbm:s0], s1  }
0xb3: {  	s0 =	simm.s32 @!p0 $0x7  }
0xb4: {  	_ =	swait.ge @!p0 [sflag:s0], s1  }
0xb5: {  	s1 =	ssub.s32 @!p0 $0x0, s1;
	[sflag:s0] =	ssyncset.done @!p0 $0x0  }
0xb6: {  	[sflag:s0] =	ssyncadd.s32 @!p0 s1  }
0xb7: {  	[bflag:$0x3] =	sbarrier.arrive $0xFFFF  }
0xb8: {  	_ =	shalt  }

</sc_bundles>
